<compile_context>
chip_gen: v7x
topology: tpu7x:2x2x1
jax: 0.10.2.dev20260603
libtpu: 0.0.44.dev20260713+nightly
codegen_flags: <defaults>
</compile_context>

<pallas_src>
import jax
import jax.numpy as jnp
from jax import lax
from jax.experimental import pallas as pl
from jax.experimental.pallas import tpu as pltpu
from jax.experimental.pallas import tpu_sc as plsc

B = 32
N = 500000
GR = 1024
GC = 1024
CELLS = GR * GC
NC = 2
NS = 16
BPC = B // NC
CH = 4000
NCH = N // CH
NV = CH // 16
DUMP = 64
SLICE = CELLS // NS
DB = 32768


def _body(ks_hbm, vs_hbm, out_hbm,
          kbuf, cellbuf, valbuf, dbuf, splane, sem):
    c = lax.axis_index("c")
    s = lax.axis_index("s")

    def zfill(t, _):
        dbuf[pl.ds(t * 16, 16)] = jnp.zeros((16,), jnp.float32)
        return 0
    lax.fori_loop(0, DB // 16, zfill, 0)

    def batch_body(k, _):
        b = c * BPC + k
        boff = b * N

        def zdma(t, _):
            pltpu.sync_copy(dbuf, splane.at[pl.ds(s * SLICE + t * DB, DB)])
            return 0
        lax.fori_loop(0, SLICE // DB, zdma, 0)
        plsc.subcore_barrier()

        def chunk(t, _):
            ci = s + NS * t

            @pl.when(ci < NCH)
            def _():
                off = boff + ci * CH
                last = jnp.logical_and(b == B - 1, ci == NCH - 1)

                @pl.when(jnp.logical_not(last))
                def _():
                    pltpu.sync_copy(ks_hbm.at[pl.ds(off, CH + 16)], kbuf)

                @pl.when(last)
                def _():
                    pltpu.sync_copy(ks_hbm.at[pl.ds(off, CH)],
                                    kbuf.at[pl.ds(0, CH)])
                    kbuf[pl.ds(CH, 16)] = jnp.full((16,), -1, jnp.int32)
                pltpu.sync_copy(vs_hbm.at[pl.ds(off, CH)], valbuf)

                def vec(v, _):
                    cur = kbuf[pl.ds(v * 16, 16)]
                    nxt = plsc.load_gather(
                        kbuf, [v * 16 + 1 + lax.iota(jnp.int32, 16)])
                    rend = cur != nxt
                    cell = jnp.bitwise_and(cur, CELLS - 1)
                    dump = CELLS + jnp.bitwise_and(
                        lax.iota(jnp.int32, 16), DUMP - 1)
                    cellbuf[pl.ds(v * 16, 16)] = jnp.where(rend, cell, dump)
                    return 0
                lax.fori_loop(0, NV, vec, 0)
                pltpu.sync_copy(valbuf, splane.at[cellbuf])
            return 0
        lax.fori_loop(0, (NCH + NS - 1) // NS, chunk, 0)
        plsc.subcore_barrier()

        def drain(t, _):
            pltpu.sync_copy(splane.at[pl.ds(s * SLICE + t * DB, DB)], dbuf)
            pltpu.sync_copy(dbuf, out_hbm.at[pl.ds(b * CELLS + s * SLICE
                                                   + t * DB, DB)])
            return 0
        lax.fori_loop(0, SLICE // DB, drain, 0)

        def zfill2(t, _):
            dbuf[pl.ds(t * 16, 16)] = jnp.zeros((16,), jnp.float32)
            return 0
        lax.fori_loop(0, DB // 16, zfill2, 0)
        return 0
    lax.fori_loop(0, BPC, batch_body, 0)


_regrid = pl.kernel(
    _body,
    out_type=jax.ShapeDtypeStruct((B * CELLS,), jnp.float32),
    mesh=plsc.VectorSubcoreMesh(
        core_axis_name="c", subcore_axis_name="s",
        num_cores=NC, num_subcores=NS),
    compiler_params=pltpu.CompilerParams(needs_layout_passes=False),
    scratch_types=[
        pltpu.VMEM((CH + 16,), jnp.int32),
        pltpu.VMEM((CH,), jnp.int32),
        pltpu.VMEM((CH,), jnp.float32),
        pltpu.VMEM((DB,), jnp.float32),
        pltpu.VMEM_SHARED((CELLS + DUMP,), jnp.float32),
        pltpu.SemaphoreType.DMA,
    ],
)


def kernel(inputs, row_indices, col_indices):
    bidx = jnp.repeat(jnp.arange(B, dtype=jnp.int32), N)
    key = ((bidx << 20) | (jnp.tile(row_indices, B) << 10)
           | jnp.tile(col_indices, B))
    ks, vs = lax.sort_key_val(key, inputs.reshape(-1), is_stable=False)
    out = _regrid(ks, vs)
    return out.reshape(B, GR, GC, 1)

# --- scband reference (transcript-rebuilt; emitter-appended) ---
"""Pipeline reference for scband-regridding-layer-40939628266084 (READ-ONLY COPY).

The authoritative reference and input builder live on the scoring server;
editing this copy changes nothing except your own understanding.
"""

import jax, jax.numpy as jnp
import numpy as np

TARGET_SHAPE = (1024, 1024, 1)
BATCH = 32
N_POINTS = 500000


def setup_inputs(seed: int = 0) -> dict:
    key = jax.random.key(seed)
    k1, k2, k3 = jax.random.split(key, 3)
    inputs = jax.random.normal(k1, (BATCH, N_POINTS), dtype=jnp.float32)
    row_indices = jax.random.randint(k2, (N_POINTS,), 0, TARGET_SHAPE[0], dtype=jnp.int32)
    col_indices = jax.random.randint(k3, (N_POINTS,), 0, TARGET_SHAPE[1], dtype=jnp.int32)
    return {"inputs": inputs, "row_indices": row_indices, "col_indices": col_indices}


def reference(inputs, row_indices, col_indices):
    # Faithful JAX translation of RegriddingLayer.call:
    # build (batch, row, col) scatter indices and overwrite-scatter the
    # flattened inputs into a zero-initialized (B,) + target_shape grid.
    B = inputs.shape[0]
    N = row_indices.shape[0]
    regrid_map = jnp.zeros((B,) + TARGET_SHAPE, dtype=inputs.dtype)
    batch_indices = jnp.repeat(jnp.arange(B, dtype=jnp.int32), N)
    full_row_indices = jnp.tile(row_indices, B)
    full_col_indices = jnp.tile(col_indices, B)
    flat_inputs = inputs.reshape(-1)
    # tf.tensor_scatter_nd_update == scatter-overwrite (.at[...].set)
    regrid_map = regrid_map.at[batch_indices, full_row_indices, full_col_indices, 0].set(flat_inputs)
    return regrid_map

if __name__ == "__main__":
    import jax
    _d = setup_inputs()
    print(jax.jit(kernel)(*tuple(_d.values())))

</pallas_src>

<mosaic_0001>
#map = affine_map<(d0, d1) -> (0)>
module attributes {stable_mosaic.version = 14 : i64} {
  func.func @_body(%arg0: i32, %arg1: i32, %arg2: memref<16000000xi32, #tpu.memory_space<hbm>>, %arg3: memref<16000000xf32, #tpu.memory_space<hbm>>, %arg4: memref<33554432xf32, #tpu.memory_space<hbm>>, %arg5: memref<4016xi32, #tpu.memory_space<vmem>>, %arg6: memref<4000xi32, #tpu.memory_space<vmem>>, %arg7: memref<4000xf32, #tpu.memory_space<vmem>>, %arg8: memref<32768xf32, #tpu.memory_space<vmem>>, %arg9: memref<1048640xf32, #tpu.memory_space<vmem_shared>>, %arg10: memref<!tpu.dma_semaphore, #tpu.memory_space<semaphore_mem>>) attributes {dimension_semantics = [#tpu.dimension_semantics<core_parallel>, #tpu.dimension_semantics<subcore_parallel>], iteration_bounds = array<i64: 2, 16>, scalar_prefetch = 0 : i64, scratch_operands = 6 : i64, tpu.core_type = #tpu.core_type<sc_vector_subcore>, window_params = [{transform_indices = #map}, {transform_indices = #map}, {transform_indices = #map}]} {
    %scan3A = arith.constant 0 : i32
    %scan3A_0 = arith.constant 0 : i32
    %scan3A_1 = arith.constant 2048 : i32
    %scan3A_2 = arith.addi %scan3A_0, %scan3A_1 : i32
    %scan3A_3 = arith.constant 1 : i32
    %scan3A_4 = scf.for %scan3A_13 = %scan3A_0 to %scan3A_2 step %scan3A_3 iter_args(%scan3A_14 = %scan3A) -> (i32)  : i32 {
      %broadcast_in_dim3A = arith.constant 0.000000e+00 : f32
      %broadcast_in_dim3A_15 = vector.broadcast %broadcast_in_dim3A : f32 to vector<16xf32>
      %mul3A = arith.constant 16 : i32
      %mul3A_16 = arith.muli %scan3A_13, %mul3A : i32
      %swap3A = arith.index_cast %mul3A_16 : i32 to index
      %swap3A_17 = tpu.vector_load %arg8[%swap3A] {strides = array<i32>} : memref<32768xf32, #tpu.memory_space<vmem>>, vector<16xf32>,
      tpu.vector_store %arg8[%swap3A], %broadcast_in_dim3A_15 {strides = array<i32>} : memref<32768xf32, #tpu.memory_space<vmem>>, vector<16xf32>,
      %scan3A_18 = arith.constant 0 : i32
      scf.yield %scan3A_18 : i32
    }
    %scan3A_5 = arith.constant 2048 : i32
    %scan3A_6 = arith.constant 0 : i32
    %scan3A_7 = arith.constant 0 : i32
    %scan3A_8 = arith.constant 16 : i32
    %scan3A_9 = arith.addi %scan3A_7, %scan3A_8 : i32
    %scan3A_10 = arith.constant 1 : i32
    %scan3A_11 = scf.for %scan3A_13 = %scan3A_7 to %scan3A_9 step %scan3A_10 iter_args(%scan3A_14 = %scan3A_6) -> (i32)  : i32 {
      %mul3A = arith.constant 16 : i32
      %mul3A_15 = arith.muli %arg0, %mul3A : i32
      %add3A = arith.addi %mul3A_15, %scan3A_13 : i32
      %mul3A_16 = arith.constant 500000 : i32
      %mul3A_17 = arith.muli %add3A, %mul3A_16 : i32
      %scan3A_18 = arith.constant 0 : i32
      %scan3A_19 = arith.constant 0 : i32
      %scan3A_20 = arith.constant 2 : i32
      %scan3A_21 = arith.addi %scan3A_19, %scan3A_20 : i32
      %scan3A_22 = arith.constant 1 : i32
      %scan3A_23 = scf.for %scan3A_48 = %scan3A_19 to %scan3A_21 step %scan3A_22 iter_args(%scan3A_49 = %scan3A_18) -> (i32)  : i32 {
        %mul3A_50 = arith.constant 65536 : i32
        %mul3A_51 = arith.muli %arg1, %mul3A_50 : i32
        %mul3A_52 = arith.constant 32768 : i32
        %mul3A_53 = arith.muli %scan3A_48, %mul3A_52 : i32
        %add3A_54 = arith.addi %mul3A_51, %mul3A_53 : i32
        "tpu.region"() ({
          %run_scoped3A = tpu.sem_alloc : memref<!tpu.dma_semaphore, #tpu.memory_space<semaphore_mem>>
          %dma_start3A = tpu.memref_slice %arg9[%add3A_54] : memref<1048640xf32, #tpu.memory_space<vmem_shared>> -> memref<32768xf32, #tpu.memory_space<vmem_shared>>
          %dma_start3A_56 = tpu.memref_slice %arg9[%add3A_54] : memref<1048640xf32, #tpu.memory_space<vmem_shared>> -> memref<32768xf32, #tpu.memory_space<vmem_shared>>
          tpu.enqueue_dma source(%arg8 : memref<32768xf32, #tpu.memory_space<vmem>>) target(%dma_start3A_56 : memref<32768xf32, #tpu.memory_space<vmem_shared>>) target_semaphore(%run_scoped3A : memref<!tpu.dma_semaphore, #tpu.memory_space<semaphore_mem>>)
          %dma_wait3A = tpu.memref_slice %arg9[%add3A_54] : memref<1048640xf32, #tpu.memory_space<vmem_shared>> -> memref<32768xf32, #tpu.memory_space<vmem_shared>>
          %dma_wait3A_57 = tpu.memref_slice %arg9[%add3A_54] : memref<1048640xf32, #tpu.memory_space<vmem_shared>> -> memref<32768xf32, #tpu.memory_space<vmem_shared>>
          tpu.wait_dma2 semaphore(%run_scoped3A : memref<!tpu.dma_semaphore, #tpu.memory_space<semaphore_mem>>) src(%arg8 : memref<32768xf32, #tpu.memory_space<vmem>>) dst(%dma_wait3A_57 : memref<32768xf32, #tpu.memory_space<vmem_shared>>)
          tpu.yield
        }) : () -> ()
        %scan3A_55 = arith.constant 0 : i32
        scf.yield %scan3A_55 : i32
      }
      %scan3A_24 = arith.constant 2 : i32
      %barrier3A = arith.constant 0 : index
      tpu.barrier barrier_id(%barrier3A)
      %scan3A_25 = arith.constant 0 : i32
      %scan3A_26 = arith.constant 0 : i32
      %scan3A_27 = arith.constant 8 : i32
      %scan3A_28 = arith.addi %scan3A_26, %scan3A_27 : i32
      %scan3A_29 = arith.constant 1 : i32
      %scan3A_30 = scf.for %scan3A_48 = %scan3A_26 to %scan3A_28 step %scan3A_29 iter_args(%scan3A_49 = %scan3A_25) -> (i32)  : i32 {
        %mul3A_50 = arith.constant 16 : i32
        %mul3A_51 = arith.muli %mul3A_50, %scan3A_48 : i32
        %add3A_52 = arith.addi %arg1, %mul3A_51 : i32
        %lt3A = arith.constant 125 : i32
        %lt3A_53 = arith.cmpi slt, %add3A_52, %lt3A : i32
        %convert_element_type3A = arith.extui %lt3A_53 : i1 to i32
        %cond3A = arith.constant 0 : i32
        %cond3A_54 = arith.cmpi ne, %convert_element_type3A, %cond3A : i32
        scf.if %cond3A_54 {
          %mul3A_56 = arith.constant 4000 : i32
          %mul3A_57 = arith.muli %add3A_52, %mul3A_56 : i32
          %add3A_58 = arith.addi %mul3A_17, %mul3A_57 : i32
          %eq3A = arith.constant 31 : i32
          %eq3A_59 = arith.cmpi eq, %add3A, %eq3A : i32
          %eq3A_60 = arith.constant 124 : i32
          %eq3A_61 = arith.cmpi eq, %add3A_52, %eq3A_60 : i32
          %and3A = arith.andi %eq3A_59, %eq3A_61 : i1
          %not3A = arith.constant true
          %not3A_62 = arith.xori %and3A, %not3A : i1
          %convert_element_type3A_63 = arith.extui %not3A_62 : i1 to i32
          %cond3A_64 = arith.constant 0 : i32
          %cond3A_65 = arith.cmpi ne, %convert_element_type3A_63, %cond3A_64 : i32
          scf.if %cond3A_65 {
            "tpu.region"() ({
              %run_scoped3A = tpu.sem_alloc : memref<!tpu.dma_semaphore, #tpu.memory_space<semaphore_mem>>
              %dma_start3A = tpu.memref_slice %arg2[%add3A_58] : memref<16000000xi32, #tpu.memory_space<hbm>> -> memref<4016xi32, #tpu.memory_space<hbm>>
              %dma_start3A_76 = tpu.memref_slice %arg2[%add3A_58] : memref<16000000xi32, #tpu.memory_space<hbm>> -> memref<4016xi32, #tpu.memory_space<hbm>>
              tpu.enqueue_dma source(%dma_start3A_76 : memref<4016xi32, #tpu.memory_space<hbm>>) target(%arg5 : memref<4016xi32, #tpu.memory_space<vmem>>) target_semaphore(%run_scoped3A : memref<!tpu.dma_semaphore, #tpu.memory_space<semaphore_mem>>)
              %dma_wait3A = tpu.memref_slice %arg2[%add3A_58] : memref<16000000xi32, #tpu.memory_space<hbm>> -> memref<4016xi32, #tpu.memory_space<hbm>>
              %dma_wait3A_77 = tpu.memref_slice %arg2[%add3A_58] : memref<16000000xi32, #tpu.memory_space<hbm>> -> memref<4016xi32, #tpu.memory_space<hbm>>
              tpu.wait_dma2 semaphore(%run_scoped3A : memref<!tpu.dma_semaphore, #tpu.memory_space<semaphore_mem>>) src(%dma_wait3A_77 : memref<4016xi32, #tpu.memory_space<hbm>>) dst(%arg5 : memref<4016xi32, #tpu.memory_space<vmem>>)
              tpu.yield
            }) : () -> ()
          } else {
          }
          %convert_element_type3A_66 = arith.extui %and3A : i1 to i32
          %cond3A_67 = arith.constant 0 : i32
          %cond3A_68 = arith.cmpi ne, %convert_element_type3A_66, %cond3A_67 : i32
          scf.if %cond3A_68 {
            "tpu.region"() ({
              %run_scoped3A = tpu.sem_alloc : memref<!tpu.dma_semaphore, #tpu.memory_space<semaphore_mem>>
              %dma_start3A = arith.constant 0 : i32
              %dma_start3A_78 = tpu.memref_slice %arg5[%dma_start3A] : memref<4016xi32, #tpu.memory_space<vmem>> -> memref<4000xi32, #tpu.memory_space<vmem>>
              %dma_start3A_79 = tpu.memref_slice %arg2[%add3A_58] : memref<16000000xi32, #tpu.memory_space<hbm>> -> memref<4000xi32, #tpu.memory_space<hbm>>
              %dma_start3A_80 = arith.constant 0 : i32
              %dma_start3A_81 = tpu.memref_slice %arg5[%dma_start3A_80] : memref<4016xi32, #tpu.memory_space<vmem>> -> memref<4000xi32, #tpu.memory_space<vmem>>
              %dma_start3A_82 = tpu.memref_slice %arg2[%add3A_58] : memref<16000000xi32, #tpu.memory_space<hbm>> -> memref<4000xi32, #tpu.memory_space<hbm>>
              tpu.enqueue_dma source(%dma_start3A_82 : memref<4000xi32, #tpu.memory_space<hbm>>) target(%dma_start3A_81 : memref<4000xi32, #tpu.memory_space<vmem>>) target_semaphore(%run_scoped3A : memref<!tpu.dma_semaphore, #tpu.memory_space<semaphore_mem>>)
              %dma_wait3A = arith.constant 0 : i32
              %dma_wait3A_83 = tpu.memref_slice %arg5[%dma_wait3A] : memref<4016xi32, #tpu.memory_space<vmem>> -> memref<4000xi32, #tpu.memory_space<vmem>>
              %dma_wait3A_84 = tpu.memref_slice %arg2[%add3A_58] : memref<16000000xi32, #tpu.memory_space<hbm>> -> memref<4000xi32, #tpu.memory_space<hbm>>
              %dma_wait3A_85 = arith.constant 0 : i32
              %dma_wait3A_86 = tpu.memref_slice %arg5[%dma_wait3A_85] : memref<4016xi32, #tpu.memory_space<vmem>> -> memref<4000xi32, #tpu.memory_space<vmem>>
              %dma_wait3A_87 = tpu.memref_slice %arg2[%add3A_58] : memref<16000000xi32, #tpu.memory_space<hbm>> -> memref<4000xi32, #tpu.memory_space<hbm>>
              tpu.wait_dma2 semaphore(%run_scoped3A : memref<!tpu.dma_semaphore, #tpu.memory_space<semaphore_mem>>) src(%dma_wait3A_87 : memref<4000xi32, #tpu.memory_space<hbm>>) dst(%dma_wait3A_86 : memref<4000xi32, #tpu.memory_space<vmem>>)
              tpu.yield
            }) : () -> ()
            %broadcast_in_dim3A = arith.constant -1 : i32
            %broadcast_in_dim3A_76 = vector.broadcast %broadcast_in_dim3A : i32 to vector<16xi32>
            %swap3A = arith.constant 4000 : index
            %swap3A_77 = tpu.vector_load %arg5[%swap3A] {strides = array<i32>} : memref<4016xi32, #tpu.memory_space<vmem>>, vector<16xi32>,
            tpu.vector_store %arg5[%swap3A], %broadcast_in_dim3A_76 {strides = array<i32>} : memref<4016xi32, #tpu.memory_space<vmem>>, vector<16xi32>,
          } else {
          }
          "tpu.region"() ({
            %run_scoped3A = tpu.sem_alloc : memref<!tpu.dma_semaphore, #tpu.memory_space<semaphore_mem>>
            %dma_start3A = tpu.memref_slice %arg3[%add3A_58] : memref<16000000xf32, #tpu.memory_space<hbm>> -> memref<4000xf32, #tpu.memory_space<hbm>>
            %dma_start3A_76 = tpu.memref_slice %arg3[%add3A_58] : memref<16000000xf32, #tpu.memory_space<hbm>> -> memref<4000xf32, #tpu.memory_space<hbm>>
            tpu.enqueue_dma source(%dma_start3A_76 : memref<4000xf32, #tpu.memory_space<hbm>>) target(%arg7 : memref<4000xf32, #tpu.memory_space<vmem>>) target_semaphore(%run_scoped3A : memref<!tpu.dma_semaphore, #tpu.memory_space<semaphore_mem>>)
            %dma_wait3A = tpu.memref_slice %arg3[%add3A_58] : memref<16000000xf32, #tpu.memory_space<hbm>> -> memref<4000xf32, #tpu.memory_space<hbm>>
            %dma_wait3A_77 = tpu.memref_slice %arg3[%add3A_58] : memref<16000000xf32, #tpu.memory_space<hbm>> -> memref<4000xf32, #tpu.memory_space<hbm>>
            tpu.wait_dma2 semaphore(%run_scoped3A : memref<!tpu.dma_semaphore, #tpu.memory_space<semaphore_mem>>) src(%dma_wait3A_77 : memref<4000xf32, #tpu.memory_space<hbm>>) dst(%arg7 : memref<4000xf32, #tpu.memory_space<vmem>>)
            tpu.yield
          }) : () -> ()
          %scan3A_69 = arith.constant 0 : i32
          %scan3A_70 = arith.constant 0 : i32
          %scan3A_71 = arith.constant 250 : i32
          %scan3A_72 = arith.addi %scan3A_70, %scan3A_71 : i32
          %scan3A_73 = arith.constant 1 : i32
          %scan3A_74 = scf.for %scan3A_76 = %scan3A_70 to %scan3A_72 step %scan3A_73 iter_args(%scan3A_77 = %scan3A_69) -> (i32)  : i32 {
            %mul3A_78 = arith.constant 16 : i32
            %mul3A_79 = arith.muli %scan3A_76, %mul3A_78 : i32
            %get3A = arith.index_cast %mul3A_79 : i32 to index
            %get3A_80 = tpu.vector_load %arg5[%get3A] {strides = array<i32>} : memref<4016xi32, #tpu.memory_space<vmem>>, vector<16xi32>,
            %mul3A_81 = arith.constant 16 : i32
            %mul3A_82 = arith.muli %scan3A_76, %mul3A_81 : i32
            %add3A_83 = arith.constant 1 : i32
            %add3A_84 = arith.addi %mul3A_82, %add3A_83 : i32
            %iota3A = tpu.iota {dimensions = array<i32: 0>} : vector<16xi32>
            %add3A_85 = vector.broadcast %add3A_84 : i32 to vector<16xi32>
            %add3A_86 = arith.addi %add3A_85, %iota3A : vector<16xi32>
            %gather3A = tpu.vector_load_idx %arg5[%add3A_86] : memref<4016xi32, #tpu.memory_space<vmem>>[vector<16xi32>], vector<16xi32>,
            %ne3A = arith.cmpi ne, %get3A_80, %gather3A : vector<16xi32>
            %and3A_87 = arith.constant 1048575 : i32
            %and3A_88 = vector.broadcast %and3A_87 : i32 to vector<16xi32>
            %and3A_89 = arith.andi %get3A_80, %and3A_88 : vector<16xi32>
            %iota3A_90 = tpu.iota {dimensions = array<i32: 0>} : vector<16xi32>
            %and3A_91 = arith.constant 63 : i32
            %and3A_92 = vector.broadcast %and3A_91 : i32 to vector<16xi32>
            %and3A_93 = arith.andi %iota3A_90, %and3A_92 : vector<16xi32>
            %add3A_94 = arith.constant 1048576 : i32
            %add3A_95 = vector.broadcast %add3A_94 : i32 to vector<16xi32>
            %add3A_96 = arith.addi %add3A_95, %and3A_93 : vector<16xi32>
            %select_n3A = arith.select %ne3A, %and3A_89, %add3A_96 : vector<16xi1>, vector<16xi32>
            %mul3A_97 = arith.constant 16 : i32
            %mul3A_98 = arith.muli %scan3A_76, %mul3A_97 : i32
            %swap3A = arith.index_cast %mul3A_98 : i32 to index
            %swap3A_99 = tpu.vector_load %arg6[%swap3A] {strides = array<i32>} : memref<4000xi32, #tpu.memory_space<vmem>>, vector<16xi32>,
            tpu.vector_store %arg6[%swap3A], %select_n3A {strides = array<i32>} : memref<4000xi32, #tpu.memory_space<vmem>>, vector<16xi32>,
            %scan3A_100 = arith.constant 0 : i32
            scf.yield %scan3A_100 : i32
          }
          %scan3A_75 = arith.constant 250 : i32
          "tpu.region"() ({
            %run_scoped3A = tpu.sem_alloc : memref<!tpu.dma_semaphore, #tpu.memory_space<semaphore_mem>>
            %dma_start3A = arith.constant 0 : i32
            %dma_start3A_76 = tpu.memref_slice %arg9[%dma_start3A] : memref<1048640xf32, #tpu.memory_space<vmem_shared>> -> memref<1048640xf32, #tpu.memory_space<vmem_shared>>
            tpu.enqueue_indirect_dma source(%arg7 : memref<4000xf32, #tpu.memory_space<vmem>>) target(%dma_start3A_76 : memref<1048640xf32, #tpu.memory_space<vmem_shared>>) offsets(%arg6 : memref<4000xi32, #tpu.memory_space<vmem>>) semaphore(%run_scoped3A : memref<!tpu.dma_semaphore, #tpu.memory_space<semaphore_mem>>)
            %dma_wait3A = arith.constant 0 : i32
            %dma_wait3A_77 = tpu.memref_slice %arg9[%dma_wait3A] : memref<1048640xf32, #tpu.memory_space<vmem_shared>> -> memref<1048640xf32, #tpu.memory_space<vmem_shared>>
            tpu.wait_indirect_dma semaphore(%run_scoped3A : memref<!tpu.dma_semaphore, #tpu.memory_space<semaphore_mem>>) src(%arg7 : memref<4000xf32, #tpu.memory_space<vmem>>) dst(%dma_wait3A_77 : memref<1048640xf32, #tpu.memory_space<vmem_shared>>)
            tpu.yield
          }) : () -> ()
        } else {
        }
        %scan3A_55 = arith.constant 0 : i32
        scf.yield %scan3A_55 : i32
      }
      %scan3A_31 = arith.constant 8 : i32
      %barrier3A_32 = arith.constant 0 : index
      tpu.barrier barrier_id(%barrier3A_32)
      %scan3A_33 = arith.constant 0 : i32
      %scan3A_34 = arith.constant 0 : i32
      %scan3A_35 = arith.constant 2 : i32
      %scan3A_36 = arith.addi %scan3A_34, %scan3A_35 : i32
      %scan3A_37 = arith.constant 1 : i32
      %scan3A_38 = scf.for %scan3A_48 = %scan3A_34 to %scan3A_36 step %scan3A_37 iter_args(%scan3A_49 = %scan3A_33) -> (i32)  : i32 {
        %mul3A_50 = arith.constant 65536 : i32
        %mul3A_51 = arith.muli %arg1, %mul3A_50 : i32
        %mul3A_52 = arith.constant 32768 : i32
        %mul3A_53 = arith.muli %scan3A_48, %mul3A_52 : i32
        %add3A_54 = arith.addi %mul3A_51, %mul3A_53 : i32
        "tpu.region"() ({
          %run_scoped3A = tpu.sem_alloc : memref<!tpu.dma_semaphore, #tpu.memory_space<semaphore_mem>>
          %dma_start3A = tpu.memref_slice %arg9[%add3A_54] : memref<1048640xf32, #tpu.memory_space<vmem_shared>> -> memref<32768xf32, #tpu.memory_space<vmem_shared>>
          %dma_start3A_64 = tpu.memref_slice %arg9[%add3A_54] : memref<1048640xf32, #tpu.memory_space<vmem_shared>> -> memref<32768xf32, #tpu.memory_space<vmem_shared>>
          tpu.enqueue_dma source(%dma_start3A_64 : memref<32768xf32, #tpu.memory_space<vmem_shared>>) target(%arg8 : memref<32768xf32, #tpu.memory_space<vmem>>) target_semaphore(%run_scoped3A : memref<!tpu.dma_semaphore, #tpu.memory_space<semaphore_mem>>)
          %dma_wait3A = tpu.memref_slice %arg9[%add3A_54] : memref<1048640xf32, #tpu.memory_space<vmem_shared>> -> memref<32768xf32, #tpu.memory_space<vmem_shared>>
          %dma_wait3A_65 = tpu.memref_slice %arg9[%add3A_54] : memref<1048640xf32, #tpu.memory_space<vmem_shared>> -> memref<32768xf32, #tpu.memory_space<vmem_shared>>
          tpu.wait_dma2 semaphore(%run_scoped3A : memref<!tpu.dma_semaphore, #tpu.memory_space<semaphore_mem>>) src(%dma_wait3A_65 : memref<32768xf32, #tpu.memory_space<vmem_shared>>) dst(%arg8 : memref<32768xf32, #tpu.memory_space<vmem>>)
          tpu.yield
        }) : () -> ()
        %mul3A_55 = arith.constant 1048576 : i32
        %mul3A_56 = arith.muli %add3A, %mul3A_55 : i32
        %mul3A_57 = arith.constant 65536 : i32
        %mul3A_58 = arith.muli %arg1, %mul3A_57 : i32
        %add3A_59 = arith.addi %mul3A_56, %mul3A_58 : i32
        %mul3A_60 = arith.constant 32768 : i32
        %mul3A_61 = arith.muli %scan3A_48, %mul3A_60 : i32
        %add3A_62 = arith.addi %add3A_59, %mul3A_61 : i32
        "tpu.region"() ({
          %run_scoped3A = tpu.sem_alloc : memref<!tpu.dma_semaphore, #tpu.memory_space<semaphore_mem>>
          %dma_start3A = tpu.memref_slice %arg4[%add3A_62] : memref<33554432xf32, #tpu.memory_space<hbm>> -> memref<32768xf32, #tpu.memory_space<hbm>>
          %dma_start3A_64 = tpu.memref_slice %arg4[%add3A_62] : memref<33554432xf32, #tpu.memory_space<hbm>> -> memref<32768xf32, #tpu.memory_space<hbm>>
          tpu.enqueue_dma source(%arg8 : memref<32768xf32, #tpu.memory_space<vmem>>) target(%dma_start3A_64 : memref<32768xf32, #tpu.memory_space<hbm>>) target_semaphore(%run_scoped3A : memref<!tpu.dma_semaphore, #tpu.memory_space<semaphore_mem>>)
          %dma_wait3A = tpu.memref_slice %arg4[%add3A_62] : memref<33554432xf32, #tpu.memory_space<hbm>> -> memref<32768xf32, #tpu.memory_space<hbm>>
          %dma_wait3A_65 = tpu.memref_slice %arg4[%add3A_62] : memref<33554432xf32, #tpu.memory_space<hbm>> -> memref<32768xf32, #tpu.memory_space<hbm>>
          tpu.wait_dma2 semaphore(%run_scoped3A : memref<!tpu.dma_semaphore, #tpu.memory_space<semaphore_mem>>) src(%arg8 : memref<32768xf32, #tpu.memory_space<vmem>>) dst(%dma_wait3A_65 : memref<32768xf32, #tpu.memory_space<hbm>>)
          tpu.yield
        }) : () -> ()
        %scan3A_63 = arith.constant 0 : i32
        scf.yield %scan3A_63 : i32
      }
      %scan3A_39 = arith.constant 2 : i32
      %scan3A_40 = arith.constant 0 : i32
      %scan3A_41 = arith.constant 0 : i32
      %scan3A_42 = arith.constant 2048 : i32
      %scan3A_43 = arith.addi %scan3A_41, %scan3A_42 : i32
      %scan3A_44 = arith.constant 1 : i32
      %scan3A_45 = scf.for %scan3A_48 = %scan3A_41 to %scan3A_43 step %scan3A_44 iter_args(%scan3A_49 = %scan3A_40) -> (i32)  : i32 {
        %broadcast_in_dim3A = arith.constant 0.000000e+00 : f32
        %broadcast_in_dim3A_50 = vector.broadcast %broadcast_in_dim3A : f32 to vector<16xf32>
        %mul3A_51 = arith.constant 16 : i32
        %mul3A_52 = arith.muli %scan3A_48, %mul3A_51 : i32
        %swap3A = arith.index_cast %mul3A_52 : i32 to index
        %swap3A_53 = tpu.vector_load %arg8[%swap3A] {strides = array<i32>} : memref<32768xf32, #tpu.memory_space<vmem>>, vector<16xf32>,
        tpu.vector_store %arg8[%swap3A], %broadcast_in_dim3A_50 {strides = array<i32>} : memref<32768xf32, #tpu.memory_space<vmem>>, vector<16xf32>,
        %scan3A_54 = arith.constant 0 : i32
        scf.yield %scan3A_54 : i32
      }
      %scan3A_46 = arith.constant 2048 : i32
      %scan3A_47 = arith.constant 0 : i32
      scf.yield %scan3A_47 : i32
    }
    %scan3A_12 = arith.constant 16 : i32
    return
  }
}

</mosaic_0001>

<sc_bundles>
// kernel: kernel.3.cloned.1.call-start
scs
__scs_entry_jumppad:
0x0: {  	(pc) =	sbr.rel $0x88, $3  }
0x1: {  	(tag) =	ssettag $0x0;
	lr =	simm.s32 $0x1  }
0x2: {  	[smem:$0x3F9E] =	sst lr;
	_ =	strace $0xD0000000  }
0x3: {  	_ = 	snop  }
0x4: {  	_ = 	snop  }
0x5: {  	_ = 	snop  }
0x6: {  	_ = 	snop  }
0x7: {  	_ = 	snop  }
__scs_overlays_trampoline_lowered:
0x8: {  	[smem:$0x3FAD] =	sst s0  }
0x9: {  	[smem:$0x3FAE] =	sst s1  }
0xa: {  	[smem:$0x3FAF] =	sst s2  }
0xb: {  	[smem:$0x3FB0] =	sst s3  }
0xc: {  	[smem:$0x3FB1] =	sst s4  }
0xd: {  	[smem:$0x3FB2] =	sst s5  }
0xe: {  	[smem:$0x3FB3] =	sst s6  }
0xf: {  	[smem:$0x3FB4] =	sst s7  }
0x10: {  	[smem:$0x3FB5] =	sst s8  }
0x11: {  	[smem:$0x3FB6] =	sst s9;
	s0 =	simm.s32 @!p0 $0x0  }
0x12: {  	s1 =	sld [smem:$0x3F9C];
	s0 =	simm.s32 @p0 $0x1  }
0x13: {  	[smem:$0x3FB7] =	sst s0;
	s0 =	simm.s32 @!p1 $0x0  }
0x14: {  	s2 =	sld [smem:$0x3F9B];
	s0 =	simm.s32 @p1 $0x1  }
0x15: {  	[smem:$0x3FB8] =	sst s0;
	s0 =	simm.s32 @!p2 $0x0  }
0x16: {  	s3 =	sld [smem:$0x3FDB];
	s0 =	simm.s32 @p2 $0x1  }
0x17: {  	s4 =	simm.s32 $0x1BF5;
	[smem:$0x3FBA] =	sst s0  }
0x18: {  	s0 =	sld [smem:$0x3F9D];
	_ =	swait.ge [sflag:s4], $0x0  }
0x19: {  	s7 =	sld [smem:$0x3F9E]  }
0x1a: {  	s8 =	sadd.s32 $0xFFFFE003, lr  }
0x1b: {  	s9 =	sadd.s32 $0xFFFFFEF7, lr;
	s5 =	simm.s32 $0xFFFFFFFF;
	p2 =	slt.u32 s8, $0xFFFFF086  }
0x1c: {  	p1 =	slt.u32 s9, $0xF7A;
	s5 =	simm.s32 @!p2 $0x0  }
0x1d: {  	s5 =	simm.s32 @p1 $0x1;
	p0 =	seq.s32 s7, s2  }
0x1e: {  	s7 =	smul.u32 @!p0 $0xF7A, s2;
	p2 =	seq.s32 @!p0 s5, $0x0  }
0x1f: {  	s9 =	smul.u32 $0xF7A, s1;
	s8 =	simm.s32 @!p0 $0x1BF5;
	p2 =	por !p2, p0  }
0x20: {  	[sflag:s8] =	ssyncset.s32 @!p0 $0xFFFFF086;
	s6 =	sadd.s32 @!p0 s3, s7;
	s7 =	simm.s32 @!p0 $0x108  }
0x21: {  	s3 =	sadd.s32 s3, s9;
	s6 =	sadd.s32 @!p0 $0x88, s6;
	s7 =	simm.s32 @p2 $0x1082  }
0x22: {  	[simem:s7], [sflag:s8] =	dma.local @!p0 [hbm:s6], $0xF7A  }
0x23: {  	s9 =	sor.u32 $0xD0000000, s2;
	s6 =	simm.s32 $0x108;
	_ =	swait.ge @!p0 [sflag:s8], $0x0  }
0x24: {  	s3 =	sadd.s32 $0x88, s3;
	s6 =	simm.s32 @!p1 $0x1082;
	[sflag:s4] =	ssyncset.s32 $0xFFFFF086  }
0x25: {  	[simem:s6], [sflag:s4] =	dma.local [hbm:s3], $0xF7A  }
0x26: {  	[smem:$0x3F9E] =	sst s1;
	(tag) =	ssettag s2;
	_ =	strace s9  }
0x27: {  	s1 =	sld [smem:$0x3FAE]  }
0x28: {  	s2 =	sld [smem:$0x3FAF]  }
0x29: {  	s4 =	sld [smem:$0x3FB1]  }
0x2a: {  	p0 =	seq.s32 s5, $0x0;
	s5 =	sld [smem:$0x3FB2]  }
0x2b: {  	s6 =	sld [smem:$0x3FB3]  }
0x2c: {  	s7 =	sld [smem:$0x3FB4]  }
0x2d: {  	s3 =	simm.s32 $0x108;
	s8 =	sld [smem:$0x3FB5]  }
0x2e: {  	s3 =	simm.s32 @!p0 $0x1082;
	s9 =	sld [smem:$0x3FB6]  }
0x2f: {  	lr =	sadd.s32 s0, s3;
	s0 =	sld [smem:$0x3FAD]  }
0x30: {  	s3 =	sld [smem:$0x3FB0]  }
0x31: {  	[smem:$0x3FB9] =	sst s10  }
0x32: {  	s10 =	sld [smem:$0x3FB7];
	_ =	sdelay $0x3  }
0x33: {  	p0 =	seq.s32 s10, $0x1;
	s10 =	sld [smem:$0x3FB9];
	_ =	sdelay $0x3  }
0x34: {  	[smem:$0x3FB9] =	sst s10  }
0x35: {  	s10 =	sld [smem:$0x3FB8];
	_ =	sdelay $0x3  }
0x36: {  	p1 =	seq.s32 s10, $0x1;
	s10 =	sld [smem:$0x3FB9];
	_ =	sdelay $0x3  }
0x37: {  	[smem:$0x3FB9] =	sst s10  }
0x38: {  	s10 =	sld [smem:$0x3FBA]  }
0x39: {  	_ = 	snop;
	(pc) =	sbr.ind lr, $3  }
0x3a: {  	_ = 	snop  }
0x3b: {  	_ = 	snop  }
0x3c: {  	p2 =	seq.s32 s10, $0x1;
	s10 =	sld [smem:$0x3FB9]  }
0x3d: {  	_ =	shalt  }
0x3e: {  	_ =	shalt  }
0x3f: {  	_ =	shalt  }
0x40: {  	_ =	shalt  }
0x41: {  	_ =	shalt  }
0x42: {  	_ =	shalt  }
0x43: {  	_ =	shalt  }
0x44: {  	_ =	shalt  }
0x45: {  	_ =	shalt  }
0x46: {  	_ =	shalt  }
0x47: {  	_ =	shalt  }
0x48: {  	_ =	shalt  }
0x49: {  	_ =	shalt  }
0x4a: {  	_ =	shalt  }
0x4b: {  	_ =	shalt  }
0x4c: {  	_ =	shalt  }
0x4d: {  	_ =	shalt  }
0x4e: {  	_ =	shalt  }
0x4f: {  	_ =	shalt  }
0x50: {  	_ =	shalt  }
0x51: {  	_ =	shalt  }
0x52: {  	_ =	shalt  }
0x53: {  	_ =	shalt  }
0x54: {  	_ =	shalt  }
0x55: {  	_ =	shalt  }
0x56: {  	_ =	shalt  }
0x57: {  	_ =	shalt  }
0x58: {  	_ =	shalt  }
0x59: {  	_ =	shalt  }
0x5a: {  	_ =	shalt  }
0x5b: {  	_ =	shalt  }
0x5c: {  	_ =	shalt  }
0x5d: {  	_ =	shalt  }
0x5e: {  	_ =	shalt  }
0x5f: {  	_ =	shalt  }
0x60: {  	_ =	shalt  }
0x61: {  	_ =	shalt  }
0x62: {  	_ =	shalt  }
0x63: {  	_ =	shalt  }
0x64: {  	_ =	shalt  }
0x65: {  	_ =	shalt  }
0x66: {  	_ =	shalt  }
0x67: {  	_ =	shalt  }
0x68: {  	_ =	shalt  }
0x69: {  	_ =	shalt  }
0x6a: {  	_ =	shalt  }
0x6b: {  	_ =	shalt  }
0x6c: {  	_ =	shalt  }
0x6d: {  	_ =	shalt  }
0x6e: {  	_ =	shalt  }
0x6f: {  	_ =	shalt  }
0x70: {  	_ =	shalt  }
0x71: {  	_ =	shalt  }
0x72: {  	_ =	shalt  }
0x73: {  	_ =	shalt  }
0x74: {  	_ =	shalt  }
0x75: {  	_ =	shalt  }
0x76: {  	_ =	shalt  }
0x77: {  	_ =	shalt  }
0x78: {  	_ =	shalt  }
0x79: {  	_ =	shalt  }
0x7a: {  	_ =	shalt  }
0x7b: {  	_ =	shalt  }
0x7c: {  	_ =	shalt  }
0x7d: {  	_ =	shalt  }
0x7e: {  	_ =	shalt  }
0x7f: {  	_ =	shalt  }
0x80: {  	_ =	shalt  }
0x81: {  	_ =	shalt  }
0x82: {  	_ =	shalt  }
0x83: {  	_ =	shalt  }
0x84: {  	_ =	shalt  }
0x85: {  	_ =	shalt  }
0x86: {  	_ =	shalt  }
0x87: {  	_ =	shalt  }
.Lfunc_end0:
.L_simem_size_0:
called_computation_lowered:
.L_overlay_start_0:
0x88: {  	s2 =	sld [smem:$0x3FD9]  }
0x89: {  	s3 =	sld [smem:$0x3FFE];
	_ =	sdelay $0x1  }
0x8a: {  	s1 =	srdreg.scid  }
0x8b: {  	s0 =	sand.u32 $0x1, s1  }
0x8c: {  	s17 =	sshll.u32 s0, $0xA;
	s2 =	sadd.s32 s3, s2  }
0x8d: {  	s2 =	sadd.s32 s2, s17  }
0x8e: {  	[smem:$0x3FC5] =	sst s2  }
0x8f: {  	_ = 	snop  }
0x90: {  	s2 =	sld [smem:$0x3FD0];
	(tm) =	ssettm $0x1  }
0x91: {  	s18 =	sld [smem:$0x3FFB];
	_ =	sdelay $0x3  }
0x92: {  	_ =	strace s18  }
0x93: {  	s3 =	sld [smem:$0x3FFC];
	_ =	sdelay $0x3  }
0x94: {  	_ =	strace s3  }
0x95: {  	s3 =	sld [smem:$0x3FFD];
	_ =	sdelay $0x3  }
0x96: {  	_ =	strace s3  }
0x97: {  	_ =	strace $0x8FFFFFFF  }
0x98: {  	s19 =	sld [smem:$0x3FDB];
	_ =	sdelay $0x1  }
0x99: {  	s4 =	simm.s32 $_scs_section_size  }
0x9a: {  	s5 =	simm.s32 $_size__tile_overlayer_lowered;
	s6 =	simm.s32 $_tile_overlayer_lowered  }
0x9b: {  	s22 =	simm.s32 $0x1BFF;
	s21 =	sshll.u32 s6, $0x1;
	s3 =	sadd.s32 s4, s19  }
0x9c: {  	s7 =	simm.s32 $0x0;
	s20 =	sshll.u32 s5, $0x1;
	s5 =	sadd.s32 s21, s3  }
0x9d: {  	[timem:s7], [sflag:s22] =	dma.local [hbm:s5], s20  }
0x9e: {  	_ =	swait.ge [sflag:s22], s20  }
0x9f: {  	s4 =	ssub.s32 $0x0, s20;
	[sflag:s22] =	ssyncset.done $0x0  }
0xa0: {  	[sflag:s22] =	ssyncadd.s32 s4;
	_ =	sdelay $0x1  }
0xa1: {  	s23 =	simm.s32 $0x1B8B  }
0xa2: {  	_ =	swait.ge [sflag:s23], $0x1  }
0xa3: {  	[sflag:s23] =	ssyncset.done $0x0  }
0xa4: {  	s25 =	simm.s32 $0x1B8E;
	s24 =	sld [smem:$0x3FFE];
	[sflag:s23] =	ssyncadd.s32 $0xFFFFFFFF  }
0xa5: {  	s26 =	simm.s32 $execute0_lowered;
	[smem:$0x3FD2] =	sst s25  }
0xa6: {  	s5 =	sshll.u32 s26, $0x1;
	_ =	strace $0x80000046;
	[dreg:$0x1] =	wrdreg $0xFFFFFFFF  }
0xa7: {  	s28 =	simm.s32 $_size_execute0_lowered;
	s3 =	sadd.s32 s3, s5;
	[dreg:$0x0] =	wrdreg $0x0  }
0xa8: {  	s5 =	sshll.u32 s28, $0x1;
	[dreg:$0x2] =	wrdreg s3  }
0xa9: {  	[dreg:$0x3] =	wrdreg s5  }
0xaa: {  	[dreg:$0x4] =	wrdreg $0xC0  }
0xab: {  	_ =	task [dreg:s7], $0x5FFFF  }
0xac: {  	[dreg:$0x1] =	wrdreg $0xFFFFFFFF  }
0xad: {  	[dreg:$0x0] =	wrdreg $0x60  }
0xae: {  	[dreg:$0x2] =	wrdreg s24  }
0xaf: {  	[dreg:$0x3] =	wrdreg s2  }
0xb0: {  	[dreg:$0x4] =	wrdreg $0xB0000  }
0xb1: {  	[dreg:$0x5] =	wrdreg $0x9  }
0xb2: {  	_ =	task.clear_ibuf [dreg:s7], $0x6FFFF;
	_ =	strace $0x90000046  }
0xb3: {  	s29 =	simm.s32 $0x9;
	_ =	strace $0x80000048  }
0xb4: {  	_ =	swait.ge [sflag:s29], $0x1  }
0xb5: {  	[sflag:s29] =	ssyncadd.s32 $0xFFFFFFFF  }
0xb6: {  	_ =	strace $0x90000048  }
0xb7: {  	_ =	sfence  }
0xb8: {  	s30 =	sld [smem:$0x0];
	_ =	sdelay $0x2  }
0xb9: {  	s31 =	sshll.u32 s1, $0xD;
	s1 =	sshrl.u32 s1, $0x2  }
0xba: {  	s3 =	sand.u32 $0x4000, s31;
	s1 =	sadd.s32 s1, s30  }
0xbb: {  	s0 =	sor.u32 s3, s0;
	s1 =	sshll.u32 s1, $0x11  }
0xbc: {  	s0 =	sor.u32 s1, s0  }
0xbd: {  	s0 =	sadd.s32 $0x8F2B, s0  }
0xbe: {  	[sflag:s0] =	ssyncadd.remote.s32 $0x1  }
0xbf: {  	_ =	sfence.sel $0xFFFF  }
0xc0: {  	[dreg:$0x0] =	wrdreg $0xFFFFFFFF;
	(pc) =	sbr.abs _section_cstart, $3  }
0xc1: {  	[dreg:$0x1] =	wrdreg $0xFFFFFFFF  }
0xc2: {  	_ =	task.clear_ibuf [dreg:s7], $0x2FFFF;
	_ =	strace $0x9FFFFFFF  }
0xc3: {  	(tm) =	ssettm $0x7FFFFFFF  }
tec
execute0_lowered:
.L_overlay_start_1:
0x0: {  	(tag) =	ssettag $0x1  }
0x1: {  	s10 =	rddreg [dreg:$0x0]  }
0x2: {  	s1 =	rddreg [dreg:$0x1]  }
0x3: {  	s2 =	rddreg [dreg:$0x2]  }
0x4: {  	s0 =	rddreg [dreg:$0x3]  }
0x5: {  	s3 =	simm.s32 $0x0;
	s4 =	srdreg.scid;
	s13 =	simm.s32 $0x3000  }
0x6: {  	s14 =	simm.s32 $0x1;
	s15 =	simm.s32 $0x2;
	s16 =	simm.s32 $0x2000  }
0x7: {  	s17 =	simm.s32 $0xFA0;
	s18 =	simm.s32 $0x1000;
	s8 =	sand.u32 $0x1, s4  }
0x8: {  	s19 =	simm.s32 $0x0;
	[smem:$0x7FF] =	sst s3;
	s7 =	ssub.s32 $0x2, s8  }
0x9: {  	s5 =	sadd.s32 $0x3D1200, s10;
	s4 =	stileid.u32;
	s9 =	sshrl.u32 s7, $0x1  }
0xa: {  	s6 =	sadd.s32 $0x5B9800, s10;
	s11 =	ssub.s32 s7, s9;
	s7 =	sshll.u32 s4, $0x10  }
0xb: {  	v0 =	vlaneseq.u32;
	s10 =	sadd.s32 $0x5B948C, s10;
	_ =	strace $0x80000047;
	s9 =	sadd.s32 s7, s2  }
0xc: {  	v1 =	vimm.f32 $0.0e+00;
	v2 =	vimm.s32 $0xFFFFFFFF;
	v3 =	vor.u32 $0x100000, v0;
	s8 =	sshll.u32 s8, $0x4;
	s11 =	smax.u32 s11, $0x1;
	s12 =	sadd.s32 $0x8000, s9  }
.LBB2_1:
0xd: {  	s20 =	simm.s32 $0x40;
	s21 =	simm.s32 $0x0  }
.LBB2_2:
0xe: {  	p0 =	sne.s32 s20, $0x1FFC0;
	[tilespmem:s21+$0x3000] =	vst v1;
	s21 =	smov.u32 s20;
	s20 =	sadd.s32 $0x40, s20  }
.Ltmp0:
0xf: {  	(pc) =	sbr.rel @p0 .LBB2_2-.Ltmp0, $2  }
0x10: {  	_ =	sdelay $0x2  }
0x11: {  	s21 =	sshra.s32 s21, $0x2  }
0x12: {  	[tilespmem:s21+$0x3000] =	vst v1;
	s20 =	simm.s32 $0x0  }
.LBB2_4:
0x13: {  	[spmem:s9] =	stream.linear.scatter [tilespmem:s13], [sflag:$0x1], $0x8000, $0x38;
	[tilespmem:$0x1B008] =	vst v63  }
0x14: {  	_ =	swait.ge [sflag:s14], $0x8000  }
0x15: {  	[sflag:s14] =	ssyncset.done $0x0  }
0x16: {  	[sflag:s14] =	ssyncadd.s32 $0xFFFF8000  }
0x17: {  	[spmem:s12] =	stream.linear.scatter [tilespmem:s13], [sflag:$0x1], $0x8000, $0x38;
	[tilespmem:$0x1B008] =	vst v63  }
.Ltmp1:
0x18: {  	_ =	swait.ge [sflag:s14], $0x8000;
	(pc) =	sbr.rel .LBB2_5-.Ltmp1, $4  }
0x19: {  	[sflag:s14] =	ssyncset.done $0x0  }
0x1a: {  	[sflag:s14] =	ssyncadd.s32 $0xFFFF8000  }
0x1b: {  	s21 =	sadd.s32 s8, s20;
	[bflag:$0x0] =	sbarrier.arrive $0xFFFF  }
0x1c: {  	s23 =	simm.s32 $0x0;
	s22 =	smul.u32 $0x7A120, s21;
	p0 =	sne.s32 s21, $0x1F  }
.LBB2_8:
0x1d: {  	_ = 	snop  }
0x1e: {  	vm0 =	veq.s32 v6, v5;
	v5 =	vand.u32 $0xFFFFF, v6  }
0x1f: {  	s24 =	sadd.s32 $0x10, s24;
	v5 =	vsel vm0, v3, v5  }
0x20: {  	[tilespmem:s24+$0x0] =	vst v5  }
0x21: {  	s25 =	sadd.s32 $0x10, s25;
	v4 =	vld.idx.msk [tilespmem:v4+s3+$0x0], $0xffff  }
0x22: {  	v5 =	vld [tilespmem:s25+$0x0];
	_ =	sdelay $0x4  }
0x23: {  	vm15 =	veq.s32 v5, v4;
	v4 =	vand.u32 $0xFFFFF, v5  }
0x24: {  	s24 =	sadd.s32 $0x10, s24;
	v4 =	vsel vm15, v3, v4  }
0x25: {  	[tilespmem:s24+$0x0] =	vst v4  }
0x26: {  	[spmem:s2] =	stream.indirect.scatter [tilespmem:s16], [sflag:$0x1], $0x1, s18, s17, $0xb8;
	[tilespmem:$0x1B008] =	vst v63  }
0x27: {  	_ =	swait.ge [sflag:s14], $0xFA0  }
0x28: {  	[sflag:s14] =	ssyncset.done $0x0  }
0x29: {  	[sflag:s14] =	ssyncadd.s32 $0xFFFFF060  }
.LBB2_9:
0x2a: {  	s23 =	sadd.s32 $0x1, s23  }
0x2b: {  	p1 =	sne.s32 s23, $0x8  }
.Ltmp2:
0x2c: {  	_ = 	snop;
	(pc) =	sbr.rel @!p1 .LBB2_10-.Ltmp2, $1  }
0x2d: {  	_ =	sdelay $0x3  }
.LBB2_5:
0x2e: {  	s24 =	sshll.u32 s23, $0x4  }
0x2f: {  	s24 =	sor.u32 s4, s24  }
0x30: {  	p1 =	sgt.u32 s24, $0x7C  }
.Ltmp3:
0x31: {  	_ = 	snop;
	(pc) =	sbr.rel @p1 .LBB2_9-.Ltmp3, $1  }
0x32: {  	_ =	sdelay $0x3  }
0x33: {  	p1 =	sne.s32 @!p0 s24, $0x7C  }
0x34: {  	p1 =	por p0, p1  }
0x35: {  	[tilespmem:s3], [sflag:$0x2] =	stream.linear.gather @!p1 [hbm4b:s10+s3], $0xFA0, $0x38;
	[tilespmem:$0x1B008] =	vst v63  }
0x36: {  	s24 =	simm.s32 @!p1 $0x1E828C  }
0x37: {  	s24 =	smul.u32 @p1 $0xFA0, s24  }
0x38: {  	_ =	swait.ge @!p1 [sflag:s15], $0xFA0  }
0x39: {  	[sflag:s15] =	ssyncset.done @!p1 $0x0;
	s24 =	sadd.s32 @p1 s22, s24  }
0x3a: {  	[sflag:s15] =	ssyncadd.s32 @!p1 $0xFFFFF060;
	s24 =	sshrl.u32 @p1 s24, $0x3  }
0x3b: {  	[tilespmem:$0xFA0] =	vst @!p1 v2;
	s25 =	sadd.s32 @p1 s5, s24  }
0x3c: {  	[tilespmem:s3], [sflag:$0x2] =	stream.linear.gather @p1 [hbm4b:s25+s3], $0xFB0, $0x38;
	[tilespmem:$0x1B008] =	vst v63  }
0x3d: {  	_ =	swait.ge @p1 [sflag:s15], $0xFB0  }
0x3e: {  	s29 =	simm.s32 $0x1;
	[sflag:s15] =	ssyncset.done @p1 $0x0  }
0x3f: {  	s26 =	simm.s32 $0x0;
	v4 =	vadd.s32 s29, v0;
	s24 =	sadd.s32 s6, s24;
	[sflag:s15] =	ssyncadd.s32 @p1 $0xFFFFF050  }
0x40: {  	[tilespmem:s16], [sflag:$0x2] =	stream.linear.gather [hbm4b:s24+s26], $0xFA0, $0x38;
	[tilespmem:$0x1B008] =	vst v63  }
0x41: {  	_ =	swait.ge [sflag:s15], $0xFA0  }
0x42: {  	[sflag:s15] =	ssyncset.done $0x0  }
0x43: {  	[sflag:s15] =	ssyncadd.s32 $0xFFFFF060  }
0x44: {  	v4 =	vld.idx.msk [tilespmem:v4+s3+$0x0], $0xffff  }
0x45: {  	v5 =	vld [tilespmem:s26+$0x0];
	_ =	sdelay $0x1  }
0x46: {  	s30 =	simm.s32 $0x11  }
0x47: {  	v6 =	vadd.s32 s30, v0;
	_ =	sdelay $0x1  }
0x48: {  	vm0 =	veq.s32 v5, v4;
	v4 =	vand.u32 $0xFFFFF, v5  }
0x49: {  	s24 =	simm.s32 $0x1000;
	v4 =	vsel vm0, v3, v4  }
0x4a: {  	[tilespmem:s24+$0x0] =	vst v4  }
0x4b: {  	s25 =	simm.s32 $0x10;
	v5 =	vld.idx.msk [tilespmem:v6+s3+$0x0], $0xffff  }
0x4c: {  	v6 =	vld [tilespmem:s25+$0x0];
	_ =	sdelay $0x1  }
0x4d: {  	s31 =	simm.s32 $0x21  }
0x4e: {  	s26 =	simm.s32 $0x31;
	v4 =	vadd.s32 s31, v0  }
.LBB2_7:
0x4f: {  	p1 =	sne.s32 s26, $0xF91  }
0x50: {  	vm0 =	veq.s32 v6, v5;
	v5 =	vand.u32 $0xFFFFF, v6  }
0x51: {  	s24 =	sadd.s32 $0x10, s24;
	v5 =	vsel vm0, v3, v5  }
0x52: {  	[tilespmem:s24+$0x0] =	vst v5  }
.Ltmp4:
0x53: {  	s25 =	sadd.s32 $0x10, s25;
	v5 =	vld.idx.msk [tilespmem:v4+s3+$0x0], $0xffff;
	(pc) =	sbr.rel @p1 .LBB2_7-.Ltmp4, $2  }
0x54: {  	v6 =	vld [tilespmem:s25+$0x0];
	_ =	sdelay $0x2  }
0x55: {  	v4 =	vadd.s32 s26, v0;
	s26 =	sadd.s32 $0x10, s26  }
.Ltmp5:
0x56: {  	_ = 	snop;
	(pc) =	sbr.rel .LBB2_8-.Ltmp5, $1  }
0x57: {  	_ =	sdelay $0x3  }
.LBB2_10:
0x58: {  	[bflag:$0x0] =	sbarrier.arrive $0xFFFF;
	s21 =	sshll.u32 s21, $0x14  }
0x59: {  	[tilespmem:s13], [sflag:$0x1] =	stream.linear.gather [spmem:s9], $0x8000, $0x38;
	[tilespmem:$0x1B008] =	vst v63  }
0x5a: {  	s21 =	sor.u32 s7, s21;
	_ =	swait.ge [sflag:s14], $0x8000  }
0x5b: {  	s21 =	sshrl.u32 s21, $0x3;
	[sflag:s14] =	ssyncset.done $0x0  }
0x5c: {  	s22 =	simm.s32 $0x0;
	s21 =	sadd.s32 s1, s21;
	[sflag:s14] =	ssyncadd.s32 $0xFFFF8000  }
0x5d: {  	[hbm4b:s21+s22] =	stream.linear.scatter [tilespmem:s13], [sflag:$0x1], $0x8000, $0x38;
	[tilespmem:$0x1B008] =	vst v63  }
0x5e: {  	_ =	swait.ge [sflag:s14], $0x8000  }
0x5f: {  	[sflag:s14] =	ssyncset.done $0x0  }
0x60: {  	[sflag:s14] =	ssyncadd.s32 $0xFFFF8000  }
0x61: {  	[tilespmem:s13], [sflag:$0x1] =	stream.linear.gather [spmem:s12], $0x8000, $0x38;
	[tilespmem:$0x1B008] =	vst v63  }
0x62: {  	_ =	swait.ge [sflag:s14], $0x8000  }
0x63: {  	[sflag:s14] =	ssyncset.done $0x0  }
0x64: {  	s21 =	sadd.s32 $0x1000, s21;
	[sflag:s14] =	ssyncadd.s32 $0xFFFF8000  }
0x65: {  	[hbm4b:s21+s22] =	stream.linear.scatter [tilespmem:s13], [sflag:$0x1], $0x8000, $0x38;
	[tilespmem:$0x1B008] =	vst v63  }
0x66: {  	_ =	swait.ge [sflag:s14], $0x8000  }
0x67: {  	[sflag:s14] =	ssyncset.done $0x0  }
0x68: {  	s21 =	simm.s32 $0x40;
	s22 =	simm.s32 $0x0;
	[sflag:s14] =	ssyncadd.s32 $0xFFFF8000  }
.LBB2_11:
0x69: {  	p0 =	sne.s32 s21, $0x1FFC0;
	[tilespmem:s22+$0x3000] =	vst v1;
	s22 =	smov.u32 s21;
	s21 =	sadd.s32 $0x40, s21  }
.Ltmp6:
0x6a: {  	(pc) =	sbr.rel @p0 .LBB2_11-.Ltmp6, $2  }
0x6b: {  	_ =	sdelay $0x2  }
0x6c: {  	s22 =	sshra.s32 s22, $0x2  }
0x6d: {  	s20 =	sadd.s32 $0x1, s20  }
0x6e: {  	p0 =	sne.s32 s20, $0x10  }
.Ltmp7:
0x6f: {  	_ = 	snop;
	(pc) =	sbr.rel @p0 .LBB2_4-.Ltmp7, $2  }
0x70: {  	_ =	sdelay $0x2  }
0x71: {  	[tilespmem:s22+$0x3000] =	vst v1  }
0x72: {  	s19 =	sadd.s32 $0x1, s19  }
0x73: {  	p0 =	sne.s32 s19, s11  }
.Ltmp8:
0x74: {  	_ = 	snop;
	(pc) =	sbr.rel @p0 .LBB2_1-.Ltmp8, $1  }
0x75: {  	_ =	sdelay $0x3  }
0x76: {  	_ =	sfence.sel $0x180000  }
0x77: {  	[bflag:$0x0] =	sbarrier.arrive $0xFFFF  }
0x78: {  	p0 =	sne.s32 s4, $0x0;
	_ =	strace $0x90000047  }
0x79: {  	s0 =	sadd.s32 @!p0 $0x100000, s0;
	[bflag:$0x2] =	sbarrier.arrive $0xFFFF  }
0x7a: {  	[sflag:s0] =	ssyncadd.tile.s32 @!p0 $0x1;
	_ =	shalt  }
.Lfunc_end2:
_tile_overlayer_lowered:
.L_overlay_start_2:
0x7b: {  	(tag) =	ssettag $0x2  }
0x7c: {  	s0 =	rddreg [dreg:$0x0];
	s2 =	stileid.u32  }
0x7d: {  	s1 =	rddreg [dreg:$0x1];
	p0 =	sne.s32 s2, $0x0  }
0x7e: {  	s3 =	rddreg [dreg:$0x2];
	[bflag:$0x3] =	sbarrier.arrive $0xFFFF;
	s2 =	simm.s32 @!p0 $0x1C01  }
0x7f: {  	[timem:s3], [sflag:s2] =	dma.local @!p0 [hbm:s0], s1  }
0x80: {  	s0 =	simm.s32 @!p0 $0x1  }
0x81: {  	_ =	swait.ge @!p0 [sflag:s0], s1  }
0x82: {  	s1 =	ssub.s32 @!p0 $0x0, s1;
	[sflag:s0] =	ssyncset.done @!p0 $0x0  }
0x83: {  	[sflag:s0] =	ssyncadd.s32 @!p0 s1  }
0x84: {  	[bflag:$0x3] =	sbarrier.arrive $0xFFFF  }
0x85: {  	_ =	shalt  }

</sc_bundles>
